<compile_context>
chip_gen: v7x
topology: tpu7x:2x2x1
jax: 0.10.2.dev20260603
libtpu: 0.0.44.dev20260713+nightly
codegen_flags: <defaults>
</compile_context>

<pallas_src>
import functools

import jax
import jax.numpy as jnp
from jax import lax
from jax.experimental import pallas as pl
from jax.experimental.pallas import tpu as pltpu
from jax.experimental.pallas import tpu_sc as plsc

_NUM_PID = 15080
_SCALAR = 10.0
_ROWS = 64
_CHUNK = 1536
_D = 2048

_SC_CORES = 2
_SC_WORKERS = 8
_RPW = _ROWS // _SC_WORKERS


def _lse_kernel(feat_ref, lut_ref, out_ref, s_ref):
    j = pl.program_id(0)
    nc = pl.num_programs(0)

    @pl.when(j == 0)
    def _init():
        s_ref[...] = jnp.zeros_like(s_ref)

    logits = _SCALAR * lax.dot_general(
        feat_ref[...], lut_ref[...], (((1,), (1,)), ((), ())),
        preferred_element_type=jnp.float32)

    col = j * _CHUNK + lax.broadcasted_iota(jnp.int32, (_ROWS, _CHUNK), 1)
    e = jnp.where(col < _NUM_PID, jnp.exp(logits - _SCALAR), 0.0)
    s_ref[...] += e.reshape(_ROWS, _CHUNK // 128, 128).sum(axis=1)

    @pl.when(j == nc - 1)
    def _fin():
        s_tot = s_ref[...].sum(axis=1, keepdims=True)
        out_ref[...] = jnp.log(s_tot) + _SCALAR


@functools.partial(
    pl.kernel,
    mesh=plsc.VectorSubcoreMesh(core_axis_name="c", subcore_axis_name="s"),
    out_type=jax.ShapeDtypeStruct((_ROWS, 16), jnp.float32),
    scratch_types=[
        pltpu.VMEM((_RPW,), jnp.int32),
        pltpu.VMEM((_RPW, _D), jnp.float32),
        pltpu.VMEM((_RPW, _D), jnp.float32),
        pltpu.VMEM((_RPW, 16), jnp.float32),
        pltpu.SemaphoreType.DMA,
    ],
)
def _sc_picked(ids_hbm, feat_hbm, lut_hbm, out_hbm,
               idx_v, feat_v, rows_v, out_v, sem):
    wid = lax.axis_index("s") * _SC_CORES + lax.axis_index("c")

    @pl.when(wid < _SC_WORKERS)
    def _work():
        base = wid * _RPW
        pltpu.sync_copy(ids_hbm.at[pl.ds(base, _RPW)], idx_v)
        pltpu.sync_copy(feat_hbm.at[pl.ds(base, _RPW)], feat_v)
        gather = pltpu.async_copy(lut_hbm.at[idx_v], rows_v, sem)
        gather.wait()
        for r in range(_RPW):
            def body(k, acc):
                a = feat_v[r, pl.ds(k * 16, 16)]
                b = rows_v[r, pl.ds(k * 16, 16)]
                return acc + a * b
            acc = lax.fori_loop(0, _D // 16, body,
                                jnp.zeros((16,), jnp.float32))
            out_v[r, :] = acc
        pltpu.sync_copy(out_v, out_hbm.at[pl.ds(base, _RPW)])


def kernel(features, gt_labels, lut):
    pids = gt_labels.reshape(-1, gt_labels.shape[-1])[:, -1].astype(jnp.int32)
    mask = pids > -1
    safe = jnp.where(mask, pids, 0)

    nc = pl.cdiv(_NUM_PID, _CHUNK)
    lse = pl.pallas_call(
        _lse_kernel,
        grid=(nc,),
        in_specs=[
            pl.BlockSpec((_ROWS, _D), lambda j: (0, 0)),
            pl.BlockSpec((_CHUNK, _D), lambda j: (j, 0)),
        ],
        out_specs=pl.BlockSpec((_ROWS, 1), lambda j: (0, 0)),
        out_shape=jax.ShapeDtypeStruct((_ROWS, 1), jnp.float32),
        scratch_shapes=[pltpu.VMEM((_ROWS, 128), jnp.float32)],
    )(features, lut)[:, 0]

    picked = _sc_picked(safe, features, lut).sum(axis=1) * _SCALAR

    per_row = jnp.where(mask, lse - picked, 0.0)
    return jnp.sum(per_row) / jnp.sum(mask.astype(jnp.float32))

# --- scband reference (transcript-rebuilt; emitter-appended) ---
"""Pipeline reference for scband-oimloss-computation-un-5600637353999 (READ-ONLY COPY).

The authoritative reference and input builder live on the scoring server;
editing this copy changes nothing except your own understanding.
"""

import jax, jax.numpy as jnp
import numpy as np

NUM_PID = 15080
OUT_CHANNELS = 2048
SCALAR = 10.0


def setup_inputs(seed: int = 0) -> dict:
    key = jax.random.key(seed)
    k1, k2, k3 = jax.random.split(key, 3)
    features = jax.random.normal(k1, (64, OUT_CHANNELS), dtype=jnp.float32)
    features = features / (jnp.linalg.norm(features, axis=1, keepdims=True) + 1e-12)
    # gt_labels: [n_images, n_boxes, 5]; last column is the person id in [0, NUM_PID)
    gt_labels = jax.random.randint(k2, (4, 16, 5), 0, NUM_PID, dtype=jnp.int32)
    # lut buffer: in training it holds L2-normalized feature prototypes per pid
    lut = jax.random.normal(k3, (NUM_PID, OUT_CHANNELS), dtype=jnp.float32)
    lut = lut / (jnp.linalg.norm(lut, axis=1, keepdims=True) + 1e-12)
    return {"features": features, "gt_labels": gt_labels, "lut": lut}


def reference(features, gt_labels, lut):
    # pids = torch.cat([i[:, -1] for i in gt_labels])
    pids = gt_labels.reshape(-1, gt_labels.shape[-1])[:, -1]
    mask = pids > -1
    safe_ids = jnp.where(mask, pids, 0)
    # HM.forward: inputs.mm(features.t()) where ctx.features is the lut buffer
    sim_all = features @ lut.T
    logits = sim_all * SCALAR
    # F.cross_entropy(logits, id_labeled) with mean reduction
    lse = jax.scipy.special.logsumexp(logits, axis=1)
    picked = jnp.take_along_axis(logits, safe_ids[:, None], axis=1)[:, 0]
    per_row = lse - picked
    masked_sum = jnp.sum(jnp.where(mask, per_row, 0.0))
    count = jnp.sum(mask.astype(per_row.dtype))
    loss = masked_sum / count
    return loss

if __name__ == "__main__":
    import jax
    _d = setup_inputs()
    print(jax.jit(kernel)(*tuple(_d.values())))

</pallas_src>

<mosaic_0001>
#map = affine_map<(d0, d1) -> (0)>
#map1 = affine_map<(d0, d1) -> (0, 0)>
module attributes {stable_mosaic.version = 14 : i64} {
  func.func @_sc_picked(%arg0: i32, %arg1: i32, %arg2: memref<64xi32, #tpu.memory_space<hbm>>, %arg3: memref<64x2048xf32, #tpu.memory_space<hbm>>, %arg4: memref<15080x2048xf32, #tpu.memory_space<hbm>>, %arg5: memref<64x16xf32, #tpu.memory_space<hbm>>, %arg6: memref<8xi32, #tpu.memory_space<vmem>>, %arg7: memref<8x2048xf32, #tpu.memory_space<vmem>>, %arg8: memref<8x2048xf32, #tpu.memory_space<vmem>>, %arg9: memref<8x16xf32, #tpu.memory_space<vmem>>, %arg10: memref<!tpu.dma_semaphore, #tpu.memory_space<semaphore_mem>>) attributes {dimension_semantics = [#tpu.dimension_semantics<core_parallel>, #tpu.dimension_semantics<subcore_parallel>], iteration_bounds = array<i64: 2, 16>, scalar_prefetch = 0 : i64, scratch_operands = 5 : i64, tpu.core_type = #tpu.core_type<sc_vector_subcore>, window_params = [{transform_indices = #map}, {transform_indices = #map1}, {transform_indices = #map1}, {transform_indices = #map1}]} {
    %mul3A = arith.constant 2 : i32
    %mul3A_0 = arith.muli %arg1, %mul3A : i32
    %add3A = arith.addi %mul3A_0, %arg0 : i32
    %lt3A = arith.constant 8 : i32
    %lt3A_1 = arith.cmpi slt, %add3A, %lt3A : i32
    %convert_element_type3A = arith.extui %lt3A_1 : i1 to i32
    %cond3A = arith.constant 0 : i32
    %cond3A_2 = arith.cmpi ne, %convert_element_type3A, %cond3A : i32
    scf.if %cond3A_2 {
      %mul3A_3 = arith.constant 8 : i32
      %mul3A_4 = arith.muli %add3A, %mul3A_3 : i32
      "tpu.region"() ({
        %run_scoped3A = tpu.sem_alloc : memref<!tpu.dma_semaphore, #tpu.memory_space<semaphore_mem>>
        %dma_start3A_118 = tpu.memref_slice %arg2[%mul3A_4] : memref<64xi32, #tpu.memory_space<hbm>> -> memref<8xi32, #tpu.memory_space<hbm>>
        %dma_start3A_119 = tpu.memref_slice %arg2[%mul3A_4] : memref<64xi32, #tpu.memory_space<hbm>> -> memref<8xi32, #tpu.memory_space<hbm>>
        tpu.enqueue_dma source(%dma_start3A_119 : memref<8xi32, #tpu.memory_space<hbm>>) target(%arg6 : memref<8xi32, #tpu.memory_space<vmem>>) target_semaphore(%run_scoped3A : memref<!tpu.dma_semaphore, #tpu.memory_space<semaphore_mem>>)
        %dma_wait3A_120 = tpu.memref_slice %arg2[%mul3A_4] : memref<64xi32, #tpu.memory_space<hbm>> -> memref<8xi32, #tpu.memory_space<hbm>>
        %dma_wait3A_121 = tpu.memref_slice %arg2[%mul3A_4] : memref<64xi32, #tpu.memory_space<hbm>> -> memref<8xi32, #tpu.memory_space<hbm>>
        tpu.wait_dma2 semaphore(%run_scoped3A : memref<!tpu.dma_semaphore, #tpu.memory_space<semaphore_mem>>) src(%dma_wait3A_121 : memref<8xi32, #tpu.memory_space<hbm>>) dst(%arg6 : memref<8xi32, #tpu.memory_space<vmem>>)
        tpu.yield
      }) : () -> ()
      "tpu.region"() ({
        %run_scoped3A = tpu.sem_alloc : memref<!tpu.dma_semaphore, #tpu.memory_space<semaphore_mem>>
        %dma_start3A_118 = arith.constant 0 : i32
        %dma_start3A_119 = tpu.memref_slice %arg3[%mul3A_4, %dma_start3A_118] : memref<64x2048xf32, #tpu.memory_space<hbm>> -> memref<8x2048xf32, #tpu.memory_space<hbm>>
        %dma_start3A_120 = arith.constant 0 : i32
        %dma_start3A_121 = tpu.memref_slice %arg3[%mul3A_4, %dma_start3A_120] : memref<64x2048xf32, #tpu.memory_space<hbm>> -> memref<8x2048xf32, #tpu.memory_space<hbm>>
        tpu.enqueue_dma source(%dma_start3A_121 : memref<8x2048xf32, #tpu.memory_space<hbm>>) target(%arg7 : memref<8x2048xf32, #tpu.memory_space<vmem>>) target_semaphore(%run_scoped3A : memref<!tpu.dma_semaphore, #tpu.memory_space<semaphore_mem>>)
        %dma_wait3A_122 = arith.constant 0 : i32
        %dma_wait3A_123 = tpu.memref_slice %arg3[%mul3A_4, %dma_wait3A_122] : memref<64x2048xf32, #tpu.memory_space<hbm>> -> memref<8x2048xf32, #tpu.memory_space<hbm>>
        %dma_wait3A_124 = arith.constant 0 : i32
        %dma_wait3A_125 = tpu.memref_slice %arg3[%mul3A_4, %dma_wait3A_124] : memref<64x2048xf32, #tpu.memory_space<hbm>> -> memref<8x2048xf32, #tpu.memory_space<hbm>>
        tpu.wait_dma2 semaphore(%run_scoped3A : memref<!tpu.dma_semaphore, #tpu.memory_space<semaphore_mem>>) src(%dma_wait3A_125 : memref<8x2048xf32, #tpu.memory_space<hbm>>) dst(%arg7 : memref<8x2048xf32, #tpu.memory_space<vmem>>)
        tpu.yield
      }) : () -> ()
      %dma_start3A = arith.constant 0 : i32
      %dma_start3A_5 = arith.constant 0 : i32
      %dma_start3A_6 = tpu.memref_slice %arg4[%dma_start3A, %dma_start3A_5] : memref<15080x2048xf32, #tpu.memory_space<hbm>> -> memref<15080x2048xf32, #tpu.memory_space<hbm>>
      tpu.enqueue_indirect_dma source(%dma_start3A_6 : memref<15080x2048xf32, #tpu.memory_space<hbm>>) target(%arg8 : memref<8x2048xf32, #tpu.memory_space<vmem>>) offsets(%arg6 : memref<8xi32, #tpu.memory_space<vmem>>) semaphore(%arg10 : memref<!tpu.dma_semaphore, #tpu.memory_space<semaphore_mem>>)
      %dma_wait3A = arith.constant 0 : i32
      %dma_wait3A_7 = arith.constant 0 : i32
      %dma_wait3A_8 = tpu.memref_slice %arg4[%dma_wait3A, %dma_wait3A_7] : memref<15080x2048xf32, #tpu.memory_space<hbm>> -> memref<15080x2048xf32, #tpu.memory_space<hbm>>
      tpu.wait_indirect_dma semaphore(%arg10 : memref<!tpu.dma_semaphore, #tpu.memory_space<semaphore_mem>>) src(%dma_wait3A_8 : memref<15080x2048xf32, #tpu.memory_space<hbm>>) dst(%arg8 : memref<8x2048xf32, #tpu.memory_space<vmem>>)
      %broadcast_in_dim3A = arith.constant 0.000000e+00 : f32
      %broadcast_in_dim3A_9 = vector.broadcast %broadcast_in_dim3A : f32 to vector<16xf32>
      %scan3A = arith.constant 0 : i32
      %scan3A_10 = arith.constant 128 : i32
      %scan3A_11 = arith.addi %scan3A, %scan3A_10 : i32
      %scan3A_12 = arith.constant 1 : i32
      %scan3A_13 = scf.for %scan3A_118 = %scan3A to %scan3A_11 step %scan3A_12 iter_args(%scan3A_119 = %broadcast_in_dim3A_9) -> (vector<16xf32>)  : i32 {
        %mul3A_120 = arith.constant 16 : i32
        %mul3A_121 = arith.muli %scan3A_118, %mul3A_120 : i32
        %get3A = arith.constant 0 : i32
        %get3A_122 = arith.index_cast %get3A : i32 to index
        %get3A_123 = arith.index_cast %mul3A_121 : i32 to index
        %get3A_124 = tpu.vector_load %arg7[%get3A_122, %get3A_123] {strides = array<i32>} : memref<8x2048xf32, #tpu.memory_space<vmem>>, vector<1x16xf32>,
        %get3A_125 = vector.shape_cast %get3A_124 : vector<1x16xf32> to vector<16xf32>
        %mul3A_126 = arith.constant 16 : i32
        %mul3A_127 = arith.muli %scan3A_118, %mul3A_126 : i32
        %get3A_128 = arith.constant 0 : i32
        %get3A_129 = arith.index_cast %get3A_128 : i32 to index
        %get3A_130 = arith.index_cast %mul3A_127 : i32 to index
        %get3A_131 = tpu.vector_load %arg8[%get3A_129, %get3A_130] {strides = array<i32>} : memref<8x2048xf32, #tpu.memory_space<vmem>>, vector<1x16xf32>,
        %get3A_132 = vector.shape_cast %get3A_131 : vector<1x16xf32> to vector<16xf32>
        %mul3A_133 = arith.mulf %get3A_125, %get3A_132 : vector<16xf32>
        %add3A_134 = arith.addf %scan3A_119, %mul3A_133 : vector<16xf32>
        scf.yield %add3A_134 : vector<16xf32>
      }
      %scan3A_14 = arith.constant 128 : i32
      %swap3A = arith.constant 0 : i32
      %swap3A_15 = arith.index_cast %swap3A : i32 to index
      %swap3A_16 = arith.constant 0 : index
      %swap3A_17 = tpu.vector_load %arg9[%swap3A_15, %swap3A_16] {strides = array<i32>} : memref<8x16xf32, #tpu.memory_space<vmem>>, vector<1x16xf32>,
      %swap3A_18 = vector.shape_cast %swap3A_17 : vector<1x16xf32> to vector<16xf32>
      %swap3A_19 = vector.shape_cast %scan3A_13 : vector<16xf32> to vector<1x16xf32>
      tpu.vector_store %arg9[%swap3A_15, %swap3A_16], %swap3A_19 {strides = array<i32>} : memref<8x16xf32, #tpu.memory_space<vmem>>, vector<1x16xf32>,
      %broadcast_in_dim3A_20 = arith.constant 0.000000e+00 : f32
      %broadcast_in_dim3A_21 = vector.broadcast %broadcast_in_dim3A_20 : f32 to vector<16xf32>
      %scan3A_22 = arith.constant 0 : i32
      %scan3A_23 = arith.constant 128 : i32
      %scan3A_24 = arith.addi %scan3A_22, %scan3A_23 : i32
      %scan3A_25 = arith.constant 1 : i32
      %scan3A_26 = scf.for %scan3A_118 = %scan3A_22 to %scan3A_24 step %scan3A_25 iter_args(%scan3A_119 = %broadcast_in_dim3A_21) -> (vector<16xf32>)  : i32 {
        %mul3A_120 = arith.constant 16 : i32
        %mul3A_121 = arith.muli %scan3A_118, %mul3A_120 : i32
        %get3A = arith.constant 1 : i32
        %get3A_122 = arith.index_cast %get3A : i32 to index
        %get3A_123 = arith.index_cast %mul3A_121 : i32 to index
        %get3A_124 = tpu.vector_load %arg7[%get3A_122, %get3A_123] {strides = array<i32>} : memref<8x2048xf32, #tpu.memory_space<vmem>>, vector<1x16xf32>,
        %get3A_125 = vector.shape_cast %get3A_124 : vector<1x16xf32> to vector<16xf32>
        %mul3A_126 = arith.constant 16 : i32
        %mul3A_127 = arith.muli %scan3A_118, %mul3A_126 : i32
        %get3A_128 = arith.constant 1 : i32
        %get3A_129 = arith.index_cast %get3A_128 : i32 to index
        %get3A_130 = arith.index_cast %mul3A_127 : i32 to index
        %get3A_131 = tpu.vector_load %arg8[%get3A_129, %get3A_130] {strides = array<i32>} : memref<8x2048xf32, #tpu.memory_space<vmem>>, vector<1x16xf32>,
        %get3A_132 = vector.shape_cast %get3A_131 : vector<1x16xf32> to vector<16xf32>
        %mul3A_133 = arith.mulf %get3A_125, %get3A_132 : vector<16xf32>
        %add3A_134 = arith.addf %scan3A_119, %mul3A_133 : vector<16xf32>
        scf.yield %add3A_134 : vector<16xf32>
      }
      %scan3A_27 = arith.constant 128 : i32
      %swap3A_28 = arith.constant 1 : i32
      %swap3A_29 = arith.index_cast %swap3A_28 : i32 to index
      %swap3A_30 = arith.constant 0 : index
      %swap3A_31 = tpu.vector_load %arg9[%swap3A_29, %swap3A_30] {strides = array<i32>} : memref<8x16xf32, #tpu.memory_space<vmem>>, vector<1x16xf32>,
      %swap3A_32 = vector.shape_cast %swap3A_31 : vector<1x16xf32> to vector<16xf32>
      %swap3A_33 = vector.shape_cast %scan3A_26 : vector<16xf32> to vector<1x16xf32>
      tpu.vector_store %arg9[%swap3A_29, %swap3A_30], %swap3A_33 {strides = array<i32>} : memref<8x16xf32, #tpu.memory_space<vmem>>, vector<1x16xf32>,
      %broadcast_in_dim3A_34 = arith.constant 0.000000e+00 : f32
      %broadcast_in_dim3A_35 = vector.broadcast %broadcast_in_dim3A_34 : f32 to vector<16xf32>
      %scan3A_36 = arith.constant 0 : i32
      %scan3A_37 = arith.constant 128 : i32
      %scan3A_38 = arith.addi %scan3A_36, %scan3A_37 : i32
      %scan3A_39 = arith.constant 1 : i32
      %scan3A_40 = scf.for %scan3A_118 = %scan3A_36 to %scan3A_38 step %scan3A_39 iter_args(%scan3A_119 = %broadcast_in_dim3A_35) -> (vector<16xf32>)  : i32 {
        %mul3A_120 = arith.constant 16 : i32
        %mul3A_121 = arith.muli %scan3A_118, %mul3A_120 : i32
        %get3A = arith.constant 2 : i32
        %get3A_122 = arith.index_cast %get3A : i32 to index
        %get3A_123 = arith.index_cast %mul3A_121 : i32 to index
        %get3A_124 = tpu.vector_load %arg7[%get3A_122, %get3A_123] {strides = array<i32>} : memref<8x2048xf32, #tpu.memory_space<vmem>>, vector<1x16xf32>,
        %get3A_125 = vector.shape_cast %get3A_124 : vector<1x16xf32> to vector<16xf32>
        %mul3A_126 = arith.constant 16 : i32
        %mul3A_127 = arith.muli %scan3A_118, %mul3A_126 : i32
        %get3A_128 = arith.constant 2 : i32
        %get3A_129 = arith.index_cast %get3A_128 : i32 to index
        %get3A_130 = arith.index_cast %mul3A_127 : i32 to index
        %get3A_131 = tpu.vector_load %arg8[%get3A_129, %get3A_130] {strides = array<i32>} : memref<8x2048xf32, #tpu.memory_space<vmem>>, vector<1x16xf32>,
        %get3A_132 = vector.shape_cast %get3A_131 : vector<1x16xf32> to vector<16xf32>
        %mul3A_133 = arith.mulf %get3A_125, %get3A_132 : vector<16xf32>
        %add3A_134 = arith.addf %scan3A_119, %mul3A_133 : vector<16xf32>
        scf.yield %add3A_134 : vector<16xf32>
      }
      %scan3A_41 = arith.constant 128 : i32
      %swap3A_42 = arith.constant 2 : i32
      %swap3A_43 = arith.index_cast %swap3A_42 : i32 to index
      %swap3A_44 = arith.constant 0 : index
      %swap3A_45 = tpu.vector_load %arg9[%swap3A_43, %swap3A_44] {strides = array<i32>} : memref<8x16xf32, #tpu.memory_space<vmem>>, vector<1x16xf32>,
      %swap3A_46 = vector.shape_cast %swap3A_45 : vector<1x16xf32> to vector<16xf32>
      %swap3A_47 = vector.shape_cast %scan3A_40 : vector<16xf32> to vector<1x16xf32>
      tpu.vector_store %arg9[%swap3A_43, %swap3A_44], %swap3A_47 {strides = array<i32>} : memref<8x16xf32, #tpu.memory_space<vmem>>, vector<1x16xf32>,
      %broadcast_in_dim3A_48 = arith.constant 0.000000e+00 : f32
      %broadcast_in_dim3A_49 = vector.broadcast %broadcast_in_dim3A_48 : f32 to vector<16xf32>
      %scan3A_50 = arith.constant 0 : i32
      %scan3A_51 = arith.constant 128 : i32
      %scan3A_52 = arith.addi %scan3A_50, %scan3A_51 : i32
      %scan3A_53 = arith.constant 1 : i32
      %scan3A_54 = scf.for %scan3A_118 = %scan3A_50 to %scan3A_52 step %scan3A_53 iter_args(%scan3A_119 = %broadcast_in_dim3A_49) -> (vector<16xf32>)  : i32 {
        %mul3A_120 = arith.constant 16 : i32
        %mul3A_121 = arith.muli %scan3A_118, %mul3A_120 : i32
        %get3A = arith.constant 3 : i32
        %get3A_122 = arith.index_cast %get3A : i32 to index
        %get3A_123 = arith.index_cast %mul3A_121 : i32 to index
        %get3A_124 = tpu.vector_load %arg7[%get3A_122, %get3A_123] {strides = array<i32>} : memref<8x2048xf32, #tpu.memory_space<vmem>>, vector<1x16xf32>,
        %get3A_125 = vector.shape_cast %get3A_124 : vector<1x16xf32> to vector<16xf32>
        %mul3A_126 = arith.constant 16 : i32
        %mul3A_127 = arith.muli %scan3A_118, %mul3A_126 : i32
        %get3A_128 = arith.constant 3 : i32
        %get3A_129 = arith.index_cast %get3A_128 : i32 to index
        %get3A_130 = arith.index_cast %mul3A_127 : i32 to index
        %get3A_131 = tpu.vector_load %arg8[%get3A_129, %get3A_130] {strides = array<i32>} : memref<8x2048xf32, #tpu.memory_space<vmem>>, vector<1x16xf32>,
        %get3A_132 = vector.shape_cast %get3A_131 : vector<1x16xf32> to vector<16xf32>
        %mul3A_133 = arith.mulf %get3A_125, %get3A_132 : vector<16xf32>
        %add3A_134 = arith.addf %scan3A_119, %mul3A_133 : vector<16xf32>
        scf.yield %add3A_134 : vector<16xf32>
      }
      %scan3A_55 = arith.constant 128 : i32
      %swap3A_56 = arith.constant 3 : i32
      %swap3A_57 = arith.index_cast %swap3A_56 : i32 to index
      %swap3A_58 = arith.constant 0 : index
      %swap3A_59 = tpu.vector_load %arg9[%swap3A_57, %swap3A_58] {strides = array<i32>} : memref<8x16xf32, #tpu.memory_space<vmem>>, vector<1x16xf32>,
      %swap3A_60 = vector.shape_cast %swap3A_59 : vector<1x16xf32> to vector<16xf32>
      %swap3A_61 = vector.shape_cast %scan3A_54 : vector<16xf32> to vector<1x16xf32>
      tpu.vector_store %arg9[%swap3A_57, %swap3A_58], %swap3A_61 {strides = array<i32>} : memref<8x16xf32, #tpu.memory_space<vmem>>, vector<1x16xf32>,
      %broadcast_in_dim3A_62 = arith.constant 0.000000e+00 : f32
      %broadcast_in_dim3A_63 = vector.broadcast %broadcast_in_dim3A_62 : f32 to vector<16xf32>
      %scan3A_64 = arith.constant 0 : i32
      %scan3A_65 = arith.constant 128 : i32
      %scan3A_66 = arith.addi %scan3A_64, %scan3A_65 : i32
      %scan3A_67 = arith.constant 1 : i32
      %scan3A_68 = scf.for %scan3A_118 = %scan3A_64 to %scan3A_66 step %scan3A_67 iter_args(%scan3A_119 = %broadcast_in_dim3A_63) -> (vector<16xf32>)  : i32 {
        %mul3A_120 = arith.constant 16 : i32
        %mul3A_121 = arith.muli %scan3A_118, %mul3A_120 : i32
        %get3A = arith.constant 4 : i32
        %get3A_122 = arith.index_cast %get3A : i32 to index
        %get3A_123 = arith.index_cast %mul3A_121 : i32 to index
        %get3A_124 = tpu.vector_load %arg7[%get3A_122, %get3A_123] {strides = array<i32>} : memref<8x2048xf32, #tpu.memory_space<vmem>>, vector<1x16xf32>,
        %get3A_125 = vector.shape_cast %get3A_124 : vector<1x16xf32> to vector<16xf32>
        %mul3A_126 = arith.constant 16 : i32
        %mul3A_127 = arith.muli %scan3A_118, %mul3A_126 : i32
        %get3A_128 = arith.constant 4 : i32
        %get3A_129 = arith.index_cast %get3A_128 : i32 to index
        %get3A_130 = arith.index_cast %mul3A_127 : i32 to index
        %get3A_131 = tpu.vector_load %arg8[%get3A_129, %get3A_130] {strides = array<i32>} : memref<8x2048xf32, #tpu.memory_space<vmem>>, vector<1x16xf32>,
        %get3A_132 = vector.shape_cast %get3A_131 : vector<1x16xf32> to vector<16xf32>
        %mul3A_133 = arith.mulf %get3A_125, %get3A_132 : vector<16xf32>
        %add3A_134 = arith.addf %scan3A_119, %mul3A_133 : vector<16xf32>
        scf.yield %add3A_134 : vector<16xf32>
      }
      %scan3A_69 = arith.constant 128 : i32
      %swap3A_70 = arith.constant 4 : i32
      %swap3A_71 = arith.index_cast %swap3A_70 : i32 to index
      %swap3A_72 = arith.constant 0 : index
      %swap3A_73 = tpu.vector_load %arg9[%swap3A_71, %swap3A_72] {strides = array<i32>} : memref<8x16xf32, #tpu.memory_space<vmem>>, vector<1x16xf32>,
      %swap3A_74 = vector.shape_cast %swap3A_73 : vector<1x16xf32> to vector<16xf32>
      %swap3A_75 = vector.shape_cast %scan3A_68 : vector<16xf32> to vector<1x16xf32>
      tpu.vector_store %arg9[%swap3A_71, %swap3A_72], %swap3A_75 {strides = array<i32>} : memref<8x16xf32, #tpu.memory_space<vmem>>, vector<1x16xf32>,
      %broadcast_in_dim3A_76 = arith.constant 0.000000e+00 : f32
      %broadcast_in_dim3A_77 = vector.broadcast %broadcast_in_dim3A_76 : f32 to vector<16xf32>
      %scan3A_78 = arith.constant 0 : i32
      %scan3A_79 = arith.constant 128 : i32
      %scan3A_80 = arith.addi %scan3A_78, %scan3A_79 : i32
      %scan3A_81 = arith.constant 1 : i32
      %scan3A_82 = scf.for %scan3A_118 = %scan3A_78 to %scan3A_80 step %scan3A_81 iter_args(%scan3A_119 = %broadcast_in_dim3A_77) -> (vector<16xf32>)  : i32 {
        %mul3A_120 = arith.constant 16 : i32
        %mul3A_121 = arith.muli %scan3A_118, %mul3A_120 : i32
        %get3A = arith.constant 5 : i32
        %get3A_122 = arith.index_cast %get3A : i32 to index
        %get3A_123 = arith.index_cast %mul3A_121 : i32 to index
        %get3A_124 = tpu.vector_load %arg7[%get3A_122, %get3A_123] {strides = array<i32>} : memref<8x2048xf32, #tpu.memory_space<vmem>>, vector<1x16xf32>,
        %get3A_125 = vector.shape_cast %get3A_124 : vector<1x16xf32> to vector<16xf32>
        %mul3A_126 = arith.constant 16 : i32
        %mul3A_127 = arith.muli %scan3A_118, %mul3A_126 : i32
        %get3A_128 = arith.constant 5 : i32
        %get3A_129 = arith.index_cast %get3A_128 : i32 to index
        %get3A_130 = arith.index_cast %mul3A_127 : i32 to index
        %get3A_131 = tpu.vector_load %arg8[%get3A_129, %get3A_130] {strides = array<i32>} : memref<8x2048xf32, #tpu.memory_space<vmem>>, vector<1x16xf32>,
        %get3A_132 = vector.shape_cast %get3A_131 : vector<1x16xf32> to vector<16xf32>
        %mul3A_133 = arith.mulf %get3A_125, %get3A_132 : vector<16xf32>
        %add3A_134 = arith.addf %scan3A_119, %mul3A_133 : vector<16xf32>
        scf.yield %add3A_134 : vector<16xf32>
      }
      %scan3A_83 = arith.constant 128 : i32
      %swap3A_84 = arith.constant 5 : i32
      %swap3A_85 = arith.index_cast %swap3A_84 : i32 to index
      %swap3A_86 = arith.constant 0 : index
      %swap3A_87 = tpu.vector_load %arg9[%swap3A_85, %swap3A_86] {strides = array<i32>} : memref<8x16xf32, #tpu.memory_space<vmem>>, vector<1x16xf32>,
      %swap3A_88 = vector.shape_cast %swap3A_87 : vector<1x16xf32> to vector<16xf32>
      %swap3A_89 = vector.shape_cast %scan3A_82 : vector<16xf32> to vector<1x16xf32>
      tpu.vector_store %arg9[%swap3A_85, %swap3A_86], %swap3A_89 {strides = array<i32>} : memref<8x16xf32, #tpu.memory_space<vmem>>, vector<1x16xf32>,
      %broadcast_in_dim3A_90 = arith.constant 0.000000e+00 : f32
      %broadcast_in_dim3A_91 = vector.broadcast %broadcast_in_dim3A_90 : f32 to vector<16xf32>
      %scan3A_92 = arith.constant 0 : i32
      %scan3A_93 = arith.constant 128 : i32
      %scan3A_94 = arith.addi %scan3A_92, %scan3A_93 : i32
      %scan3A_95 = arith.constant 1 : i32
      %scan3A_96 = scf.for %scan3A_118 = %scan3A_92 to %scan3A_94 step %scan3A_95 iter_args(%scan3A_119 = %broadcast_in_dim3A_91) -> (vector<16xf32>)  : i32 {
        %mul3A_120 = arith.constant 16 : i32
        %mul3A_121 = arith.muli %scan3A_118, %mul3A_120 : i32
        %get3A = arith.constant 6 : i32
        %get3A_122 = arith.index_cast %get3A : i32 to index
        %get3A_123 = arith.index_cast %mul3A_121 : i32 to index
        %get3A_124 = tpu.vector_load %arg7[%get3A_122, %get3A_123] {strides = array<i32>} : memref<8x2048xf32, #tpu.memory_space<vmem>>, vector<1x16xf32>,
        %get3A_125 = vector.shape_cast %get3A_124 : vector<1x16xf32> to vector<16xf32>
        %mul3A_126 = arith.constant 16 : i32
        %mul3A_127 = arith.muli %scan3A_118, %mul3A_126 : i32
        %get3A_128 = arith.constant 6 : i32
        %get3A_129 = arith.index_cast %get3A_128 : i32 to index
        %get3A_130 = arith.index_cast %mul3A_127 : i32 to index
        %get3A_131 = tpu.vector_load %arg8[%get3A_129, %get3A_130] {strides = array<i32>} : memref<8x2048xf32, #tpu.memory_space<vmem>>, vector<1x16xf32>,
        %get3A_132 = vector.shape_cast %get3A_131 : vector<1x16xf32> to vector<16xf32>
        %mul3A_133 = arith.mulf %get3A_125, %get3A_132 : vector<16xf32>
        %add3A_134 = arith.addf %scan3A_119, %mul3A_133 : vector<16xf32>
        scf.yield %add3A_134 : vector<16xf32>
      }
      %scan3A_97 = arith.constant 128 : i32
      %swap3A_98 = arith.constant 6 : i32
      %swap3A_99 = arith.index_cast %swap3A_98 : i32 to index
      %swap3A_100 = arith.constant 0 : index
      %swap3A_101 = tpu.vector_load %arg9[%swap3A_99, %swap3A_100] {strides = array<i32>} : memref<8x16xf32, #tpu.memory_space<vmem>>, vector<1x16xf32>,
      %swap3A_102 = vector.shape_cast %swap3A_101 : vector<1x16xf32> to vector<16xf32>
      %swap3A_103 = vector.shape_cast %scan3A_96 : vector<16xf32> to vector<1x16xf32>
      tpu.vector_store %arg9[%swap3A_99, %swap3A_100], %swap3A_103 {strides = array<i32>} : memref<8x16xf32, #tpu.memory_space<vmem>>, vector<1x16xf32>,
      %broadcast_in_dim3A_104 = arith.constant 0.000000e+00 : f32
      %broadcast_in_dim3A_105 = vector.broadcast %broadcast_in_dim3A_104 : f32 to vector<16xf32>
      %scan3A_106 = arith.constant 0 : i32
      %scan3A_107 = arith.constant 128 : i32
      %scan3A_108 = arith.addi %scan3A_106, %scan3A_107 : i32
      %scan3A_109 = arith.constant 1 : i32
      %scan3A_110 = scf.for %scan3A_118 = %scan3A_106 to %scan3A_108 step %scan3A_109 iter_args(%scan3A_119 = %broadcast_in_dim3A_105) -> (vector<16xf32>)  : i32 {
        %mul3A_120 = arith.constant 16 : i32
        %mul3A_121 = arith.muli %scan3A_118, %mul3A_120 : i32
        %get3A = arith.constant 7 : i32
        %get3A_122 = arith.index_cast %get3A : i32 to index
        %get3A_123 = arith.index_cast %mul3A_121 : i32 to index
        %get3A_124 = tpu.vector_load %arg7[%get3A_122, %get3A_123] {strides = array<i32>} : memref<8x2048xf32, #tpu.memory_space<vmem>>, vector<1x16xf32>,
        %get3A_125 = vector.shape_cast %get3A_124 : vector<1x16xf32> to vector<16xf32>
        %mul3A_126 = arith.constant 16 : i32
        %mul3A_127 = arith.muli %scan3A_118, %mul3A_126 : i32
        %get3A_128 = arith.constant 7 : i32
        %get3A_129 = arith.index_cast %get3A_128 : i32 to index
        %get3A_130 = arith.index_cast %mul3A_127 : i32 to index
        %get3A_131 = tpu.vector_load %arg8[%get3A_129, %get3A_130] {strides = array<i32>} : memref<8x2048xf32, #tpu.memory_space<vmem>>, vector<1x16xf32>,
        %get3A_132 = vector.shape_cast %get3A_131 : vector<1x16xf32> to vector<16xf32>
        %mul3A_133 = arith.mulf %get3A_125, %get3A_132 : vector<16xf32>
        %add3A_134 = arith.addf %scan3A_119, %mul3A_133 : vector<16xf32>
        scf.yield %add3A_134 : vector<16xf32>
      }
      %scan3A_111 = arith.constant 128 : i32
      %swap3A_112 = arith.constant 7 : i32
      %swap3A_113 = arith.index_cast %swap3A_112 : i32 to index
      %swap3A_114 = arith.constant 0 : index
      %swap3A_115 = tpu.vector_load %arg9[%swap3A_113, %swap3A_114] {strides = array<i32>} : memref<8x16xf32, #tpu.memory_space<vmem>>, vector<1x16xf32>,
      %swap3A_116 = vector.shape_cast %swap3A_115 : vector<1x16xf32> to vector<16xf32>
      %swap3A_117 = vector.shape_cast %scan3A_110 : vector<16xf32> to vector<1x16xf32>
      tpu.vector_store %arg9[%swap3A_113, %swap3A_114], %swap3A_117 {strides = array<i32>} : memref<8x16xf32, #tpu.memory_space<vmem>>, vector<1x16xf32>,
      "tpu.region"() ({
        %run_scoped3A = tpu.sem_alloc : memref<!tpu.dma_semaphore, #tpu.memory_space<semaphore_mem>>
        %dma_start3A_118 = arith.constant 0 : i32
        %dma_start3A_119 = tpu.memref_slice %arg5[%mul3A_4, %dma_start3A_118] : memref<64x16xf32, #tpu.memory_space<hbm>> -> memref<8x16xf32, #tpu.memory_space<hbm>>
        %dma_start3A_120 = arith.constant 0 : i32
        %dma_start3A_121 = tpu.memref_slice %arg5[%mul3A_4, %dma_start3A_120] : memref<64x16xf32, #tpu.memory_space<hbm>> -> memref<8x16xf32, #tpu.memory_space<hbm>>
        tpu.enqueue_dma source(%arg9 : memref<8x16xf32, #tpu.memory_space<vmem>>) target(%dma_start3A_121 : memref<8x16xf32, #tpu.memory_space<hbm>>) target_semaphore(%run_scoped3A : memref<!tpu.dma_semaphore, #tpu.memory_space<semaphore_mem>>)
        %dma_wait3A_122 = arith.constant 0 : i32
        %dma_wait3A_123 = tpu.memref_slice %arg5[%mul3A_4, %dma_wait3A_122] : memref<64x16xf32, #tpu.memory_space<hbm>> -> memref<8x16xf32, #tpu.memory_space<hbm>>
        %dma_wait3A_124 = arith.constant 0 : i32
        %dma_wait3A_125 = tpu.memref_slice %arg5[%mul3A_4, %dma_wait3A_124] : memref<64x16xf32, #tpu.memory_space<hbm>> -> memref<8x16xf32, #tpu.memory_space<hbm>>
        tpu.wait_dma2 semaphore(%run_scoped3A : memref<!tpu.dma_semaphore, #tpu.memory_space<semaphore_mem>>) src(%arg9 : memref<8x16xf32, #tpu.memory_space<vmem>>) dst(%dma_wait3A_125 : memref<8x16xf32, #tpu.memory_space<hbm>>)
        tpu.yield
      }) : () -> ()
    } else {
    }
    return
  }
}

module attributes {stable_mosaic.version = 14 : i64} {
  func.func @_lse_kernel(%arg0: i32, %arg1: memref<64x2048xf32, #tpu.memory_space<vmem>>, %arg2: memref<1536x2048xf32, #tpu.memory_space<vmem>>, %arg3: memref<64x1xf32, #tpu.memory_space<vmem>>, %arg4: memref<64x128xf32, #tpu.memory_space<vmem>>) attributes {dimension_semantics = [#tpu.dimension_semantics<arbitrary>], iteration_bounds = array<i64: 10>, scalar_prefetch = 0 : i64, scratch_operands = 1 : i64, tpu.core_type = #tpu.core_type<tc>, window_params = [{pipeline_mode = #tpu.pipeline_mode<synchronous>, transform_indices = @transform_0, window_bounds = array<i64: 64, 2048>}, {transform_indices = @transform_1, window_bounds = array<i64: 1536, 2048>}, {pipeline_mode = #tpu.pipeline_mode<synchronous>, transform_indices = @transform_2, window_bounds = array<i64: 64, 1>}]} {
    %eq3A = arith.constant 0 : i32
    %eq3A_0 = arith.cmpi eq, %arg0, %eq3A : i32
    %convert_element_type3A = arith.extui %eq3A_0 : i1 to i32
    %cond3A = arith.constant 0 : i32
    %cond3A_1 = arith.cmpi ne, %convert_element_type3A, %cond3A : i32
    scf.if %cond3A_1 {
      %broadcast_in_dim3A_29 = arith.constant 0.000000e+00 : f32
      %broadcast_in_dim3A_30 = vector.broadcast %broadcast_in_dim3A_29 : f32 to vector<64x128xf32>
      %swap3A_31 = arith.constant 0 : index
      %swap3A_32 = arith.constant 0 : index
      %swap3A_33 = vector.load %arg4[%swap3A_31, %swap3A_32] : memref<64x128xf32, #tpu.memory_space<vmem>>, vector<64x128xf32>
      tpu.vector_store %arg4[%swap3A_31, %swap3A_32], %broadcast_in_dim3A_30 {strides = array<i32>} : memref<64x128xf32, #tpu.memory_space<vmem>>, vector<64x128xf32>,
    } else {
    }
    %get3A = arith.constant 0 : index
    %get3A_2 = arith.constant 0 : index
    %get3A_3 = vector.load %arg1[%get3A, %get3A_2] : memref<64x2048xf32, #tpu.memory_space<vmem>>, vector<64x2048xf32>
    %get3A_4 = arith.constant 0 : index
    %get3A_5 = arith.constant 0 : index
    %get3A_6 = vector.load %arg2[%get3A_4, %get3A_5] : memref<1536x2048xf32, #tpu.memory_space<vmem>>, vector<1536x2048xf32>
    %dot_general3A = arith.constant dense<0.000000e+00> : vector<64x1536xf32>
    %dot_general3A_7 = tpu.matmul %get3A_3, %get3A_6, %dot_general3A {dimension_numbers = #tpu.dot_dimension_numbers<[1], [1], [0], [0], [0, 0, 1, 0], [], []>, transpose_lhs_hint = false} : vector<64x2048xf32>, vector<1536x2048xf32>, vector<64x1536xf32> -> vector<64x1536xf32>
    %mul3A = arith.constant 1.000000e+01 : f32
    %mul3A_8 = vector.broadcast %mul3A : f32 to vector<64x1536xf32>
    %mul3A_9 = arith.mulf %mul3A_8, %dot_general3A_7 : vector<64x1536xf32>
    %mul3A_10 = arith.constant 1536 : i32
    %mul3A_11 = arith.muli %arg0, %mul3A_10 : i32
    %iota3A = tpu.iota {dimensions = array<i32: 1>} : vector<64x1536xi32>
    %add3A = vector.broadcast %mul3A_11 : i32 to vector<64x1536xi32>
    %add3A_12 = arith.addi %add3A, %iota3A : vector<64x1536xi32>
    %lt3A = arith.constant 15080 : i32
    %lt3A_13 = vector.broadcast %lt3A : i32 to vector<64x1536xi32>
    %lt3A_14 = arith.cmpi slt, %add3A_12, %lt3A_13 : vector<64x1536xi32>
    %sub3A = arith.constant 1.000000e+01 : f32
    %sub3A_15 = vector.broadcast %sub3A : f32 to vector<64x1536xf32>
    %sub3A_16 = arith.subf %mul3A_9, %sub3A_15 : vector<64x1536xf32>
    %exp3A = math.exp %sub3A_16 : vector<64x1536xf32>
    %jit3A = arith.constant 0.000000e+00 : f32
    %broadcast_in_dim3A = vector.broadcast %jit3A : f32 to vector<64x1536xf32>
    %select_n3A = arith.select %lt3A_14, %exp3A, %broadcast_in_dim3A : vector<64x1536xi1>, vector<64x1536xf32>
    %get3A_17 = arith.constant 0 : index
    %get3A_18 = arith.constant 0 : index
    %get3A_19 = vector.load %arg4[%get3A_17, %get3A_18] : memref<64x128xf32, #tpu.memory_space<vmem>>, vector<64x128xf32>
    %reshape3A = vector.shape_cast %select_n3A : vector<64x1536xf32> to vector<64x12x128xf32>
    %reduce_sum3A = arith.constant dense<0.000000e+00> : vector<64x128xf32>
    %reduce_sum3A_20 = vector.multi_reduction <add>, %reshape3A, %reduce_sum3A [1] : vector<64x12x128xf32> to vector<64x128xf32>
    %add3A_21 = arith.addf %get3A_19, %reduce_sum3A_20 : vector<64x128xf32>
    %swap3A = arith.constant 0 : index
    %swap3A_22 = arith.constant 0 : index
    %swap3A_23 = vector.load %arg4[%swap3A, %swap3A_22] : memref<64x128xf32, #tpu.memory_space<vmem>>, vector<64x128xf32>
    tpu.vector_store %arg4[%swap3A, %swap3A_22], %add3A_21 {strides = array<i32>} : memref<64x128xf32, #tpu.memory_space<vmem>>, vector<64x128xf32>,
    %eq3A_24 = arith.constant 9 : i32
    %eq3A_25 = arith.cmpi eq, %arg0, %eq3A_24 : i32
    %convert_element_type3A_26 = arith.extui %eq3A_25 : i1 to i32
    %cond3A_27 = arith.constant 0 : i32
    %cond3A_28 = arith.cmpi ne, %convert_element_type3A_26, %cond3A_27 : i32
    scf.if %cond3A_28 {
      %get3A_29 = arith.constant 0 : index
      %get3A_30 = arith.constant 0 : index
      %get3A_31 = vector.load %arg4[%get3A_29, %get3A_30] : memref<64x128xf32, #tpu.memory_space<vmem>>, vector<64x128xf32>
      %reduce_sum3A_32 = arith.constant dense<0.000000e+00> : vector<64xf32>
      %reduce_sum3A_33 = vector.multi_reduction <add>, %get3A_31, %reduce_sum3A_32 [1] : vector<64x128xf32> to vector<64xf32>
      %broadcast_in_dim3A_34 = vector.shape_cast %reduce_sum3A_33 : vector<64xf32> to vector<64x1xf32>
      %log3A = math.log %broadcast_in_dim3A_34 : vector<64x1xf32>
      %add3A_35 = arith.constant 1.000000e+01 : f32
      %add3A_36 = vector.broadcast %add3A_35 : f32 to vector<64x1xf32>
      %add3A_37 = arith.addf %log3A, %add3A_36 : vector<64x1xf32>
      %swap3A_38 = arith.constant 0 : index
      %swap3A_39 = arith.constant 0 : index
      %swap3A_40 = vector.load %arg3[%swap3A_38, %swap3A_39] : memref<64x1xf32, #tpu.memory_space<vmem>>, vector<64x1xf32>
      tpu.vector_store %arg3[%swap3A_38, %swap3A_39], %add3A_37 {strides = array<i32>} : memref<64x1xf32, #tpu.memory_space<vmem>>, vector<64x1xf32>,
    } else {
    }
    return
  }
  func.func @transform_0(%arg0: i32) -> (i32, i32) {
    %c0_i32 = arith.constant 0 : i32
    %c0_i32_0 = arith.constant 0 : i32
    %c0_i32_1 = arith.constant 0 : i32
    return %c0_i32, %c0_i32_0 : i32, i32
  }
  func.func @transform_1(%arg0: i32) -> (i32, i32) {
    %c0_i32 = arith.constant 0 : i32
    %c0_i32_0 = arith.constant 0 : i32
    return %arg0, %c0_i32 : i32, i32
  }
  func.func @transform_2(%arg0: i32) -> (i32, i32) {
    %c0_i32 = arith.constant 0 : i32
    %c0_i32_0 = arith.constant 0 : i32
    %c0_i32_1 = arith.constant 0 : i32
    return %c0_i32, %c0_i32_0 : i32, i32
  }
}

</mosaic_0001>

<sc_bundles>
// kernel: kernel.4.cloned.1.call-start
scs
__scs_entry_jumppad:
0x0: {  	(pc) =	sbr.rel $0x88, $3  }
0x1: {  	(tag) =	ssettag $0x0;
	lr =	simm.s32 $0x1  }
0x2: {  	[smem:$0x3F9E] =	sst lr;
	_ =	strace $0xD0000000  }
0x3: {  	_ = 	snop  }
0x4: {  	_ = 	snop  }
0x5: {  	_ = 	snop  }
0x6: {  	_ = 	snop  }
0x7: {  	_ = 	snop  }
__scs_overlays_trampoline_lowered:
0x8: {  	[smem:$0x3FAD] =	sst s0  }
0x9: {  	[smem:$0x3FAE] =	sst s1  }
0xa: {  	[smem:$0x3FAF] =	sst s2  }
0xb: {  	[smem:$0x3FB0] =	sst s3  }
0xc: {  	[smem:$0x3FB1] =	sst s4  }
0xd: {  	[smem:$0x3FB2] =	sst s5  }
0xe: {  	[smem:$0x3FB3] =	sst s6  }
0xf: {  	[smem:$0x3FB4] =	sst s7  }
0x10: {  	[smem:$0x3FB5] =	sst s8  }
0x11: {  	[smem:$0x3FB6] =	sst s9;
	s0 =	simm.s32 @!p0 $0x0  }
0x12: {  	s1 =	sld [smem:$0x3F9C];
	s0 =	simm.s32 @p0 $0x1  }
0x13: {  	[smem:$0x3FB7] =	sst s0;
	s0 =	simm.s32 @!p1 $0x0  }
0x14: {  	s2 =	sld [smem:$0x3F9B];
	s0 =	simm.s32 @p1 $0x1  }
0x15: {  	[smem:$0x3FB8] =	sst s0;
	s0 =	simm.s32 @!p2 $0x0  }
0x16: {  	s3 =	sld [smem:$0x3FDB];
	s0 =	simm.s32 @p2 $0x1  }
0x17: {  	s4 =	simm.s32 $0x1BF5;
	[smem:$0x3FBA] =	sst s0  }
0x18: {  	s0 =	sld [smem:$0x3F9D];
	_ =	swait.ge [sflag:s4], $0x0  }
0x19: {  	s7 =	sld [smem:$0x3F9E]  }
0x1a: {  	s8 =	sadd.s32 $0xFFFFE003, lr  }
0x1b: {  	s9 =	sadd.s32 $0xFFFFFEF7, lr;
	s5 =	simm.s32 $0xFFFFFFFF;
	p2 =	slt.u32 s8, $0xFFFFF086  }
0x1c: {  	p1 =	slt.u32 s9, $0xF7A;
	s5 =	simm.s32 @!p2 $0x0  }
0x1d: {  	s5 =	simm.s32 @p1 $0x1;
	p0 =	seq.s32 s7, s2  }
0x1e: {  	s7 =	smul.u32 @!p0 $0xF7A, s2;
	p2 =	seq.s32 @!p0 s5, $0x0  }
0x1f: {  	s9 =	smul.u32 $0xF7A, s1;
	s8 =	simm.s32 @!p0 $0x1BF5;
	p2 =	por !p2, p0  }
0x20: {  	[sflag:s8] =	ssyncset.s32 @!p0 $0xFFFFF086;
	s6 =	sadd.s32 @!p0 s3, s7;
	s7 =	simm.s32 @!p0 $0x108  }
0x21: {  	s3 =	sadd.s32 s3, s9;
	s6 =	sadd.s32 @!p0 $0x88, s6;
	s7 =	simm.s32 @p2 $0x1082  }
0x22: {  	[simem:s7], [sflag:s8] =	dma.local @!p0 [hbm:s6], $0xF7A  }
0x23: {  	s9 =	sor.u32 $0xD0000000, s2;
	s6 =	simm.s32 $0x108;
	_ =	swait.ge @!p0 [sflag:s8], $0x0  }
0x24: {  	s3 =	sadd.s32 $0x88, s3;
	s6 =	simm.s32 @!p1 $0x1082;
	[sflag:s4] =	ssyncset.s32 $0xFFFFF086  }
0x25: {  	[simem:s6], [sflag:s4] =	dma.local [hbm:s3], $0xF7A  }
0x26: {  	[smem:$0x3F9E] =	sst s1;
	(tag) =	ssettag s2;
	_ =	strace s9  }
0x27: {  	s1 =	sld [smem:$0x3FAE]  }
0x28: {  	s2 =	sld [smem:$0x3FAF]  }
0x29: {  	s4 =	sld [smem:$0x3FB1]  }
0x2a: {  	p0 =	seq.s32 s5, $0x0;
	s5 =	sld [smem:$0x3FB2]  }
0x2b: {  	s6 =	sld [smem:$0x3FB3]  }
0x2c: {  	s7 =	sld [smem:$0x3FB4]  }
0x2d: {  	s3 =	simm.s32 $0x108;
	s8 =	sld [smem:$0x3FB5]  }
0x2e: {  	s3 =	simm.s32 @!p0 $0x1082;
	s9 =	sld [smem:$0x3FB6]  }
0x2f: {  	lr =	sadd.s32 s0, s3;
	s0 =	sld [smem:$0x3FAD]  }
0x30: {  	s3 =	sld [smem:$0x3FB0]  }
0x31: {  	[smem:$0x3FB9] =	sst s10  }
0x32: {  	s10 =	sld [smem:$0x3FB7];
	_ =	sdelay $0x3  }
0x33: {  	p0 =	seq.s32 s10, $0x1;
	s10 =	sld [smem:$0x3FB9];
	_ =	sdelay $0x3  }
0x34: {  	[smem:$0x3FB9] =	sst s10  }
0x35: {  	s10 =	sld [smem:$0x3FB8];
	_ =	sdelay $0x3  }
0x36: {  	p1 =	seq.s32 s10, $0x1;
	s10 =	sld [smem:$0x3FB9];
	_ =	sdelay $0x3  }
0x37: {  	[smem:$0x3FB9] =	sst s10  }
0x38: {  	s10 =	sld [smem:$0x3FBA]  }
0x39: {  	_ = 	snop;
	(pc) =	sbr.ind lr, $3  }
0x3a: {  	_ = 	snop  }
0x3b: {  	_ = 	snop  }
0x3c: {  	p2 =	seq.s32 s10, $0x1;
	s10 =	sld [smem:$0x3FB9]  }
0x3d: {  	_ =	shalt  }
0x3e: {  	_ =	shalt  }
0x3f: {  	_ =	shalt  }
0x40: {  	_ =	shalt  }
0x41: {  	_ =	shalt  }
0x42: {  	_ =	shalt  }
0x43: {  	_ =	shalt  }
0x44: {  	_ =	shalt  }
0x45: {  	_ =	shalt  }
0x46: {  	_ =	shalt  }
0x47: {  	_ =	shalt  }
0x48: {  	_ =	shalt  }
0x49: {  	_ =	shalt  }
0x4a: {  	_ =	shalt  }
0x4b: {  	_ =	shalt  }
0x4c: {  	_ =	shalt  }
0x4d: {  	_ =	shalt  }
0x4e: {  	_ =	shalt  }
0x4f: {  	_ =	shalt  }
0x50: {  	_ =	shalt  }
0x51: {  	_ =	shalt  }
0x52: {  	_ =	shalt  }
0x53: {  	_ =	shalt  }
0x54: {  	_ =	shalt  }
0x55: {  	_ =	shalt  }
0x56: {  	_ =	shalt  }
0x57: {  	_ =	shalt  }
0x58: {  	_ =	shalt  }
0x59: {  	_ =	shalt  }
0x5a: {  	_ =	shalt  }
0x5b: {  	_ =	shalt  }
0x5c: {  	_ =	shalt  }
0x5d: {  	_ =	shalt  }
0x5e: {  	_ =	shalt  }
0x5f: {  	_ =	shalt  }
0x60: {  	_ =	shalt  }
0x61: {  	_ =	shalt  }
0x62: {  	_ =	shalt  }
0x63: {  	_ =	shalt  }
0x64: {  	_ =	shalt  }
0x65: {  	_ =	shalt  }
0x66: {  	_ =	shalt  }
0x67: {  	_ =	shalt  }
0x68: {  	_ =	shalt  }
0x69: {  	_ =	shalt  }
0x6a: {  	_ =	shalt  }
0x6b: {  	_ =	shalt  }
0x6c: {  	_ =	shalt  }
0x6d: {  	_ =	shalt  }
0x6e: {  	_ =	shalt  }
0x6f: {  	_ =	shalt  }
0x70: {  	_ =	shalt  }
0x71: {  	_ =	shalt  }
0x72: {  	_ =	shalt  }
0x73: {  	_ =	shalt  }
0x74: {  	_ =	shalt  }
0x75: {  	_ =	shalt  }
0x76: {  	_ =	shalt  }
0x77: {  	_ =	shalt  }
0x78: {  	_ =	shalt  }
0x79: {  	_ =	shalt  }
0x7a: {  	_ =	shalt  }
0x7b: {  	_ =	shalt  }
0x7c: {  	_ =	shalt  }
0x7d: {  	_ =	shalt  }
0x7e: {  	_ =	shalt  }
0x7f: {  	_ =	shalt  }
0x80: {  	_ =	shalt  }
0x81: {  	_ =	shalt  }
0x82: {  	_ =	shalt  }
0x83: {  	_ =	shalt  }
0x84: {  	_ =	shalt  }
0x85: {  	_ =	shalt  }
0x86: {  	_ =	shalt  }
0x87: {  	_ =	shalt  }
.Lfunc_end0:
.L_simem_size_0:
called_computation_lowered:
.L_overlay_start_0:
0x88: {  	s2 =	sld [smem:$0x3FD9]  }
0x89: {  	s3 =	sld [smem:$0x3FFE];
	_ =	sdelay $0x1  }
0x8a: {  	s1 =	srdreg.scid  }
0x8b: {  	s0 =	sand.u32 $0x1, s1  }
0x8c: {  	s17 =	sshll.u32 s0, $0xA;
	s2 =	sadd.s32 s3, s2  }
0x8d: {  	s2 =	sadd.s32 s2, s17  }
0x8e: {  	[smem:$0x3FC5] =	sst s2  }
0x8f: {  	_ = 	snop  }
0x90: {  	s2 =	sld [smem:$0x3FC9]  }
0x91: {  	s18 =	sld [smem:$0x3FC7]  }
0x92: {  	s4 =	sld [smem:$0x3FD0];
	(tm) =	ssettm $0x1  }
0x93: {  	s5 =	sld [smem:$0x3FFB];
	_ =	sdelay $0x3  }
0x94: {  	_ =	strace s5  }
0x95: {  	s5 =	sld [smem:$0x3FFC];
	_ =	sdelay $0x3  }
0x96: {  	_ =	strace s5  }
0x97: {  	s5 =	sld [smem:$0x3FFD];
	_ =	sdelay $0x3  }
0x98: {  	_ =	strace s5  }
0x99: {  	_ =	strace $0x8FFFFFFF  }
0x9a: {  	s19 =	sld [smem:$0x3FDB];
	_ =	sdelay $0x1  }
0x9b: {  	s6 =	simm.s32 $_scs_section_size  }
0x9c: {  	s7 =	simm.s32 $_size__tile_overlayer_lowered;
	s8 =	simm.s32 $_tile_overlayer_lowered  }
0x9d: {  	s22 =	simm.s32 $0x1BFF;
	s21 =	sshll.u32 s8, $0x1;
	s5 =	sadd.s32 s6, s19  }
0x9e: {  	s9 =	simm.s32 $0x0;
	s20 =	sshll.u32 s7, $0x1;
	s7 =	sadd.s32 s21, s5  }
0x9f: {  	[timem:s9], [sflag:s22] =	dma.local [hbm:s7], s20  }
0xa0: {  	_ =	swait.ge [sflag:s22], s20  }
0xa1: {  	s6 =	ssub.s32 $0x0, s20;
	[sflag:s22] =	ssyncset.done $0x0  }
0xa2: {  	[sflag:s22] =	ssyncadd.s32 s6;
	_ =	sdelay $0x1  }
0xa3: {  	s23 =	simm.s32 $0x1B8B  }
0xa4: {  	_ =	swait.ge [sflag:s23], $0x1  }
0xa5: {  	[sflag:s23] =	ssyncset.done $0x0  }
0xa6: {  	s25 =	simm.s32 $0x1B8E;
	s24 =	sld [smem:$0x3FFE];
	[sflag:s23] =	ssyncadd.s32 $0xFFFFFFFF  }
0xa7: {  	s26 =	simm.s32 $execute0_lowered;
	[smem:$0x3FD2] =	sst s25  }
0xa8: {  	s7 =	sshll.u32 s26, $0x1;
	_ =	strace $0x80000046;
	[dreg:$0x1] =	wrdreg $0xFFFFFFFF  }
0xa9: {  	s28 =	simm.s32 $_size_execute0_lowered;
	s5 =	sadd.s32 s5, s7;
	[dreg:$0x0] =	wrdreg $0x0  }
0xaa: {  	s7 =	sshll.u32 s28, $0x1;
	[dreg:$0x2] =	wrdreg s5  }
0xab: {  	[dreg:$0x3] =	wrdreg s7  }
0xac: {  	[dreg:$0x4] =	wrdreg $0xC0  }
0xad: {  	_ =	task [dreg:s9], $0x5FFFF  }
0xae: {  	[dreg:$0x1] =	wrdreg $0xFFFFFFFF  }
0xaf: {  	[dreg:$0x0] =	wrdreg $0x60  }
0xb0: {  	[dreg:$0x2] =	wrdreg s4  }
0xb1: {  	[dreg:$0x3] =	wrdreg s2  }
0xb2: {  	[dreg:$0x4] =	wrdreg s18  }
0xb3: {  	[dreg:$0x5] =	wrdreg s24  }
0xb4: {  	[dreg:$0x6] =	wrdreg $0x9  }
0xb5: {  	_ =	task.clear_ibuf [dreg:s9], $0x7FFFF;
	_ =	strace $0x90000046  }
0xb6: {  	s29 =	simm.s32 $0x9;
	_ =	strace $0x80000048  }
0xb7: {  	_ =	swait.ge [sflag:s29], $0x1  }
0xb8: {  	[sflag:s29] =	ssyncadd.s32 $0xFFFFFFFF  }
0xb9: {  	_ =	strace $0x90000048  }
0xba: {  	_ =	sfence  }
0xbb: {  	s30 =	sld [smem:$0x0];
	_ =	sdelay $0x2  }
0xbc: {  	s31 =	sshll.u32 s1, $0xD;
	s1 =	sshrl.u32 s1, $0x2  }
0xbd: {  	s3 =	sand.u32 $0x4000, s31;
	s1 =	sadd.s32 s1, s30  }
0xbe: {  	s0 =	sor.u32 s3, s0;
	s1 =	sshll.u32 s1, $0x11  }
0xbf: {  	s0 =	sor.u32 s1, s0  }
0xc0: {  	s0 =	sadd.s32 $0x8F2B, s0  }
0xc1: {  	[sflag:s0] =	ssyncadd.remote.s32 $0x1  }
0xc2: {  	_ =	sfence.sel $0xFFFF  }
0xc3: {  	[dreg:$0x0] =	wrdreg $0xFFFFFFFF;
	(pc) =	sbr.abs _section_cstart, $3  }
0xc4: {  	[dreg:$0x1] =	wrdreg $0xFFFFFFFF  }
0xc5: {  	_ =	task.clear_ibuf [dreg:s9], $0x2FFFF;
	_ =	strace $0x9FFFFFFF  }
0xc6: {  	(tm) =	ssettm $0x7FFFFFFF  }
0xc7: {  	_ =	shalt  }
tec
execute0_lowered:
.L_overlay_start_1:
0x0: {  	(tag) =	ssettag $0x1  }
0x1: {  	s1 =	stileid.u32  }
0x2: {  	p0 =	sgt.u32 s1, $0x3  }
.Ltmp0:
0x3: {  	s13 =	rddreg [dreg:$0x0];
	(pc) =	sbr.rel @p0 .LBB2_19-.Ltmp0, $4  }
0x4: {  	s4 =	rddreg [dreg:$0x1]  }
0x5: {  	s2 =	rddreg [dreg:$0x2];
	s3 =	simm.s32 $0x0  }
0x6: {  	[smem:$0x7FF] =	sst s3  }
0x7: {  	s12 =	rddreg [dreg:$0x3];
	_ =	strace $0x80000047  }
0x8: {  	s5 =	srdreg.scid;
	s31 =	sshll.u32 s1, $0x1;
	s6 =	sadd.s32 $0x200, s2  }
0x9: {  	s7 =	sadd.s32 $0x300, s2;
	s8 =	sadd.s32 $0x400, s2;
	s9 =	sadd.s32 $0x500, s2  }
0xa: {  	s11 =	sadd.s32 $0x700, s2;
	s18 =	simm.s32 $0x4880;
	s19 =	simm.s32 $0x5080  }
0xb: {  	s20 =	simm.s32 $0x5880;
	s21 =	simm.s32 $0x6080;
	s22 =	simm.s32 $0x6880  }
0xc: {  	s23 =	simm.s32 $0x7080;
	s24 =	simm.s32 $0x7880;
	s25 =	simm.s32 $0x1  }
0xd: {  	s26 =	simm.s32 $0x8080;
	s28 =	simm.s32 $0x0;
	s10 =	sand.u32 $0x1, s5  }
0xe: {  	s14 =	sor.u32 s10, s31;
	s15 =	ssub.s32 $0x2, s10;
	s10 =	sadd.s32 $0x600, s2  }
0xf: {  	s5 =	sshll.u32 s14, $0xB;
	s16 =	sshll.u32 s14, $0x7;
	s17 =	sshrl.u32 s15, $0x1  }
0x10: {  	v0 =	vlaneseq.u32;
	s13 =	sadd.s32 s13, s14;
	s4 =	sadd.s32 s4, s5;
	s5 =	sadd.s32 $0x100, s2  }
0x11: {  	v1 =	vshrl.u32 v0, $0x3;
	s12 =	sadd.s32 s12, s16;
	s15 =	ssub.s32 s15, s17;
	s16 =	simm.s32 $0x80  }
0x12: {  	vm0 =	vmmov $0xffff;
	v0 =	vand.u32 $0x7, v0;
	v1 =	vmul.u32 $0x8, v1;
	s17 =	simm.s32 $0x4080;
	s14 =	smax.u32 s15, $0x1;
	s15 =	simm.s32 $0x2  }
.LBB2_2:
0x13: {  	s29 =	simm.s32 $0x0  }
0x14: {  	[tilespmem:s29], [sflag:$0x2] =	stream.linear.gather [hbm4b:s13+s29], $0x8, $0x38;
	[tilespmem:$0x8480] =	vst v63  }
0x15: {  	_ =	swait.ge [sflag:s15], $0x8  }
0x16: {  	[sflag:s15] =	ssyncset.done $0x0  }
0x17: {  	[sflag:s15] =	ssyncadd.s32 $0xFFFFFFF8  }
0x18: {  	[tilespmem:s16], [sflag:$0x2] =	stream.linear.gather [hbm4b:s4+s29], $0x4000, $0x38;
	[tilespmem:$0x8480] =	vst v63  }
0x19: {  	_ =	swait.ge [sflag:s15], $0x4000  }
0x1a: {  	[sflag:s15] =	ssyncset.done $0x0  }
0x1b: {  	[sflag:s15] =	ssyncadd.s32 $0xFFFFC000  }
0x1c: {  	v2 =	vld.msk [tilespmem:$0x0], $0xff;
	_ =	sdelay $0x4  }
0x1d: {  	v3 =	vshll.u32 v2, $0x4  }
0x1e: {  	v2 =	vand.u32 $0x7, v2;
	v3 =	vand.u32 $0xFFFFFF80, v3  }
0x1f: {  	v2 =	vor.u32 v2, v3  }
0x20: {  	v2 =	vperm.xlane v2, v0;
	_ =	sdelay $0x1  }
0x21: {  	v2 =	vadd.s32 v1, v2;
	_ =	sdelay $0x4  }
0x22: {  	[tilespmem:s17], [sflag:$0x1] =	stream.indirect_vreg.gather [hbm4b:s2+s29], $0x80, v2, vm0, $0xb8;
	[tilespmem:$0x8480] =	vst v63  }
0x23: {  	_ = 	snop  }
0x24: {  	[tilespmem:s18], [sflag:$0x1] =	stream.indirect_vreg.gather [hbm4b:s5+s29], $0x80, v2, vm0, $0xb8;
	[tilespmem:$0x8480] =	vst v63  }
0x25: {  	_ = 	snop  }
0x26: {  	[tilespmem:s19], [sflag:$0x1] =	stream.indirect_vreg.gather [hbm4b:s6+s29], $0x80, v2, vm0, $0xb8;
	[tilespmem:$0x8480] =	vst v63  }
0x27: {  	_ = 	snop  }
0x28: {  	[tilespmem:s20], [sflag:$0x1] =	stream.indirect_vreg.gather [hbm4b:s7+s29], $0x80, v2, vm0, $0xb8;
	[tilespmem:$0x8480] =	vst v63  }
0x29: {  	_ = 	snop  }
0x2a: {  	[tilespmem:s21], [sflag:$0x1] =	stream.indirect_vreg.gather [hbm4b:s8+s29], $0x80, v2, vm0, $0xb8;
	[tilespmem:$0x8480] =	vst v63  }
0x2b: {  	_ = 	snop  }
0x2c: {  	[tilespmem:s22], [sflag:$0x1] =	stream.indirect_vreg.gather [hbm4b:s9+s29], $0x80, v2, vm0, $0xb8;
	[tilespmem:$0x8480] =	vst v63  }
0x2d: {  	_ = 	snop  }
0x2e: {  	[tilespmem:s23], [sflag:$0x1] =	stream.indirect_vreg.gather [hbm4b:s10+s29], $0x80, v2, vm0, $0xb8;
	[tilespmem:$0x8480] =	vst v63  }
0x2f: {  	_ = 	snop  }
0x30: {  	[tilespmem:s24], [sflag:$0x1] =	stream.indirect_vreg.gather [hbm4b:s11+s29], $0x80, v2, vm0, $0xb8;
	[tilespmem:$0x8480] =	vst v63  }
0x31: {  	_ =	swait.ge [sflag:s25], $0x4000  }
0x32: {  	s30 =	sand.u32 $0x70, s29;
	s29 =	sand.u32 $0x3C00, s29;
	[sflag:s25] =	ssyncset.done $0x0  }
0x33: {  	s30 =	sor.u32 s30, s29;
	[sflag:s25] =	ssyncadd.s32 $0xFFFFC000  }
0x34: {  	v3 =	vld [tilespmem:s30+$0x80]  }
0x35: {  	v4 =	vld [tilespmem:s30+$0x4080];
	_ =	sdelay $0x1  }
0x36: {  	v2 =	vimm.f32 $0.0e+00;
	s29 =	simm.s32 $0x10;
	s30 =	simm.s32 $0x80  }
.LBB2_3:
0x37: {  	s31 =	sand.u32 $0x70, s29;
	s0 =	sand.u32 $0x3C00, s30;
	p0 =	sne.s32 s29, $0x7F0  }
.Ltmp1:
0x38: {  	s29 =	sadd.s32 $0x10, s29;
	s0 =	sor.u32 s31, s0;
	(pc) =	sbr.rel @p0 .LBB2_3-.Ltmp1, $4  }
0x39: {  	v5 =	vmul.f32 v4, v3;
	v3 =	vld [tilespmem:s0+$0x80]  }
0x3a: {  	v4 =	vld [tilespmem:s0+$0x4080]  }
0x3b: {  	v2 =	vadd.f32 v5, v2  }
0x3c: {  	s30 =	sadd.s32 $0x80, s30  }
0x3d: {  	_ =	sdelay $0x1  }
0x3e: {  	v3 =	vmul.f32 v4, v3;
	_ =	sdelay $0x1  }
0x3f: {  	s0 =	simm.s32 $0x0;
	v2 =	vadd.f32 v3, v2  }
0x40: {  	s29 =	sand.u32 $0x70, s0;
	s0 =	sand.u32 $0x3C00, s0  }
0x41: {  	s0 =	sor.u32 s0, s29;
	[tilespmem:$0x8080] =	vst v2  }
0x42: {  	v3 =	vld [tilespmem:s0+$0x100]  }
0x43: {  	v4 =	vld [tilespmem:s0+$0x4100];
	_ =	sdelay $0x1  }
0x44: {  	s30 =	simm.s32 $0x80;
	s29 =	simm.s32 $0x10;
	v2 =	vimm.f32 $0.0e+00  }
.LBB2_5:
0x45: {  	s0 =	sand.u32 $0x70, s29;
	s31 =	sand.u32 $0x3C00, s30;
	p0 =	sne.s32 s29, $0x7F0  }
.Ltmp2:
0x46: {  	s29 =	sadd.s32 $0x10, s29;
	s0 =	sor.u32 s31, s0;
	(pc) =	sbr.rel @p0 .LBB2_5-.Ltmp2, $4  }
0x47: {  	v5 =	vmul.f32 v4, v3;
	v3 =	vld [tilespmem:s0+$0x100]  }
0x48: {  	v4 =	vld [tilespmem:s0+$0x4100]  }
0x49: {  	v2 =	vadd.f32 v5, v2  }
0x4a: {  	s30 =	sadd.s32 $0x80, s30  }
0x4b: {  	_ =	sdelay $0x1  }
0x4c: {  	v3 =	vmul.f32 v4, v3;
	_ =	sdelay $0x1  }
0x4d: {  	s0 =	simm.s32 $0x0;
	v2 =	vadd.f32 v3, v2  }
0x4e: {  	s29 =	sand.u32 $0x70, s0;
	s0 =	sand.u32 $0x3C00, s0  }
0x4f: {  	s0 =	sor.u32 s0, s29;
	[tilespmem:$0x8100] =	vst v2  }
0x50: {  	v3 =	vld [tilespmem:s0+$0x180]  }
0x51: {  	v4 =	vld [tilespmem:s0+$0x4180];
	_ =	sdelay $0x1  }
0x52: {  	s30 =	simm.s32 $0x80;
	s29 =	simm.s32 $0x10;
	v2 =	vimm.f32 $0.0e+00  }
.LBB2_7:
0x53: {  	s0 =	sand.u32 $0x70, s29;
	s31 =	sand.u32 $0x3C00, s30;
	p0 =	sne.s32 s29, $0x7F0  }
.Ltmp3:
0x54: {  	s29 =	sadd.s32 $0x10, s29;
	s0 =	sor.u32 s31, s0;
	(pc) =	sbr.rel @p0 .LBB2_7-.Ltmp3, $4  }
0x55: {  	v5 =	vmul.f32 v4, v3;
	v3 =	vld [tilespmem:s0+$0x180]  }
0x56: {  	v4 =	vld [tilespmem:s0+$0x4180]  }
0x57: {  	v2 =	vadd.f32 v5, v2  }
0x58: {  	s30 =	sadd.s32 $0x80, s30  }
0x59: {  	_ =	sdelay $0x1  }
0x5a: {  	v3 =	vmul.f32 v4, v3;
	_ =	sdelay $0x1  }
0x5b: {  	s0 =	simm.s32 $0x0;
	v2 =	vadd.f32 v3, v2  }
0x5c: {  	s29 =	sand.u32 $0x70, s0;
	s0 =	sand.u32 $0x3C00, s0  }
0x5d: {  	s0 =	sor.u32 s0, s29;
	[tilespmem:$0x8180] =	vst v2  }
0x5e: {  	v3 =	vld [tilespmem:s0+$0x200]  }
0x5f: {  	v4 =	vld [tilespmem:s0+$0x4200];
	_ =	sdelay $0x1  }
0x60: {  	s30 =	simm.s32 $0x80;
	s29 =	simm.s32 $0x10;
	v2 =	vimm.f32 $0.0e+00  }
.LBB2_9:
0x61: {  	s0 =	sand.u32 $0x70, s29;
	s31 =	sand.u32 $0x3C00, s30;
	p0 =	sne.s32 s29, $0x7F0  }
.Ltmp4:
0x62: {  	s29 =	sadd.s32 $0x10, s29;
	s0 =	sor.u32 s31, s0;
	(pc) =	sbr.rel @p0 .LBB2_9-.Ltmp4, $4  }
0x63: {  	v5 =	vmul.f32 v4, v3;
	v3 =	vld [tilespmem:s0+$0x200]  }
0x64: {  	v4 =	vld [tilespmem:s0+$0x4200]  }
0x65: {  	v2 =	vadd.f32 v5, v2  }
0x66: {  	s30 =	sadd.s32 $0x80, s30  }
0x67: {  	_ =	sdelay $0x1  }
0x68: {  	v3 =	vmul.f32 v4, v3;
	_ =	sdelay $0x1  }
0x69: {  	s0 =	simm.s32 $0x0;
	v2 =	vadd.f32 v3, v2  }
0x6a: {  	s29 =	sand.u32 $0x70, s0;
	s0 =	sand.u32 $0x3C00, s0  }
0x6b: {  	s0 =	sor.u32 s0, s29;
	[tilespmem:$0x8200] =	vst v2  }
0x6c: {  	v3 =	vld [tilespmem:s0+$0x280]  }
0x6d: {  	v4 =	vld [tilespmem:s0+$0x4280];
	_ =	sdelay $0x1  }
0x6e: {  	s30 =	simm.s32 $0x80;
	s29 =	simm.s32 $0x10;
	v2 =	vimm.f32 $0.0e+00  }
.LBB2_11:
0x6f: {  	s0 =	sand.u32 $0x70, s29;
	s31 =	sand.u32 $0x3C00, s30;
	p0 =	sne.s32 s29, $0x7F0  }
.Ltmp5:
0x70: {  	s29 =	sadd.s32 $0x10, s29;
	s0 =	sor.u32 s31, s0;
	(pc) =	sbr.rel @p0 .LBB2_11-.Ltmp5, $4  }
0x71: {  	v5 =	vmul.f32 v4, v3;
	v3 =	vld [tilespmem:s0+$0x280]  }
0x72: {  	v4 =	vld [tilespmem:s0+$0x4280]  }
0x73: {  	v2 =	vadd.f32 v5, v2  }
0x74: {  	s30 =	sadd.s32 $0x80, s30  }
0x75: {  	_ =	sdelay $0x1  }
0x76: {  	v3 =	vmul.f32 v4, v3;
	_ =	sdelay $0x1  }
0x77: {  	s0 =	simm.s32 $0x0;
	v2 =	vadd.f32 v3, v2  }
0x78: {  	s29 =	sand.u32 $0x70, s0;
	s0 =	sand.u32 $0x3C00, s0  }
0x79: {  	s0 =	sor.u32 s0, s29;
	[tilespmem:$0x8280] =	vst v2  }
0x7a: {  	v3 =	vld [tilespmem:s0+$0x300]  }
0x7b: {  	v4 =	vld [tilespmem:s0+$0x4300];
	_ =	sdelay $0x1  }
0x7c: {  	s30 =	simm.s32 $0x80;
	s29 =	simm.s32 $0x10;
	v2 =	vimm.f32 $0.0e+00  }
.LBB2_13:
0x7d: {  	s0 =	sand.u32 $0x70, s29;
	s31 =	sand.u32 $0x3C00, s30;
	p0 =	sne.s32 s29, $0x7F0  }
.Ltmp6:
0x7e: {  	s29 =	sadd.s32 $0x10, s29;
	s0 =	sor.u32 s31, s0;
	(pc) =	sbr.rel @p0 .LBB2_13-.Ltmp6, $4  }
0x7f: {  	v5 =	vmul.f32 v4, v3;
	v3 =	vld [tilespmem:s0+$0x300]  }
0x80: {  	v4 =	vld [tilespmem:s0+$0x4300]  }
0x81: {  	v2 =	vadd.f32 v5, v2  }
0x82: {  	s30 =	sadd.s32 $0x80, s30  }
0x83: {  	_ =	sdelay $0x1  }
0x84: {  	v3 =	vmul.f32 v4, v3;
	_ =	sdelay $0x1  }
0x85: {  	s0 =	simm.s32 $0x0;
	v2 =	vadd.f32 v3, v2  }
0x86: {  	s29 =	sand.u32 $0x70, s0;
	s0 =	sand.u32 $0x3C00, s0  }
0x87: {  	s0 =	sor.u32 s0, s29;
	[tilespmem:$0x8300] =	vst v2  }
0x88: {  	v3 =	vld [tilespmem:s0+$0x380]  }
0x89: {  	v4 =	vld [tilespmem:s0+$0x4380];
	_ =	sdelay $0x1  }
0x8a: {  	s30 =	simm.s32 $0x80;
	s29 =	simm.s32 $0x10;
	v2 =	vimm.f32 $0.0e+00  }
.LBB2_15:
0x8b: {  	s0 =	sand.u32 $0x70, s29;
	s31 =	sand.u32 $0x3C00, s30;
	p0 =	sne.s32 s29, $0x7F0  }
.Ltmp7:
0x8c: {  	s29 =	sadd.s32 $0x10, s29;
	s0 =	sor.u32 s31, s0;
	(pc) =	sbr.rel @p0 .LBB2_15-.Ltmp7, $4  }
0x8d: {  	v5 =	vmul.f32 v4, v3;
	v3 =	vld [tilespmem:s0+$0x380]  }
0x8e: {  	v4 =	vld [tilespmem:s0+$0x4380]  }
0x8f: {  	v2 =	vadd.f32 v5, v2  }
0x90: {  	s30 =	sadd.s32 $0x80, s30  }
0x91: {  	_ =	sdelay $0x1  }
0x92: {  	s0 =	simm.s32 $0x0;
	v3 =	vmul.f32 v4, v3  }
0x93: {  	s0 =	sand.u32 $0x7, s0  }
0x94: {  	s0 =	sshll.u32 s0, $0x4;
	v2 =	vadd.f32 v3, v2  }
0x95: {  	s0 =	sadd.s32 $0x0, s0  }
0x96: {  	s0 =	sor.u32 $0x380, s0;
	[tilespmem:$0x8380] =	vst v2  }
0x97: {  	v4 =	vld [tilespmem:s0+$0x80]  }
0x98: {  	s29 =	simm.s32 $0x1;
	v5 =	vld [tilespmem:s0+$0x4080]  }
0x99: {  	s0 =	sand.u32 $0x7, s29  }
0x9a: {  	s0 =	sshll.u32 s0, $0x4  }
0x9b: {  	s0 =	sadd.s32 $0x80, s0  }
0x9c: {  	s0 =	sor.u32 $0x380, s0  }
0x9d: {  	v2 =	vld [tilespmem:s0+$0x80];
	v5 =	vmul.f32 v5, v4  }
0x9e: {  	s30 =	simm.s32 $0x20;
	s31 =	simm.s32 $0x2;
	v3 =	vimm.f32 $0.0e+00;
	s29 =	simm.s32 $0x80;
	v4 =	vld [tilespmem:s0+$0x4080]  }
.LBB2_17:
0x9f: {  	s0 =	sand.u32 $0x7, s31;
	s29 =	sadd.s32 $0x80, s29;
	v3 =	vadd.f32 v5, v3;
	p0 =	sne.s32 s30, $0x7F0  }
.Ltmp8:
0xa0: {  	s30 =	sadd.s32 $0x10, s30;
	s0 =	sshll.u32 s0, $0x4;
	(pc) =	sbr.rel @p0 .LBB2_17-.Ltmp8, $4  }
0xa1: {  	s0 =	sadd.s32 s0, s29  }
0xa2: {  	s0 =	sor.u32 $0x380, s0  }
0xa3: {  	v5 =	vmul.f32 v4, v2;
	v2 =	vld [tilespmem:s0+$0x80]  }
0xa4: {  	s31 =	sadd.s32 $0x1, s31;
	v4 =	vld [tilespmem:s0+$0x4080]  }
0xa5: {  	_ =	sdelay $0x3  }
0xa6: {  	v3 =	vadd.f32 v5, v3;
	v2 =	vmul.f32 v4, v2;
	_ =	sdelay $0x1  }
0xa7: {  	s28 =	sadd.s32 $0x1, s28;
	v2 =	vadd.f32 v2, v3  }
0xa8: {  	p0 =	sne.s32 s28, s14  }
.Ltmp9:
0xa9: {  	[tilespmem:$0x8400] =	vst v2;
	(pc) =	sbr.rel @p0 .LBB2_2-.Ltmp9, $4  }
0xaa: {  	[hbm4b:s12+s3] =	stream.linear.scatter [tilespmem:s26], [sflag:$0x2], $0x400, $0x38;
	[tilespmem:$0x8480] =	vst v63  }
0xab: {  	_ =	swait.ge [sflag:s15], $0x400  }
0xac: {  	[sflag:s15] =	ssyncset.done $0x0  }
0xad: {  	[sflag:s15] =	ssyncadd.s32 $0xFFFFFC00  }
.LBB2_19:
0xae: {  	_ =	sfence.sel $0x180000  }
0xaf: {  	[bflag:$0x0] =	sbarrier.arrive $0xFFFF  }
0xb0: {  	_ =	strace $0x90000047  }
0xb1: {  	[bflag:$0x2] =	sbarrier.arrive $0xFFFF  }
0xb2: {  	p0 =	sne.s32 s1, $0x0;
	s0 =	rddreg [dreg:$0x4]  }
0xb3: {  	s0 =	sadd.s32 @!p0 $0x100000, s0  }
0xb4: {  	[sflag:s0] =	ssyncadd.tile.s32 @!p0 $0x1;
	_ =	shalt  }
.Lfunc_end2:
_tile_overlayer_lowered:
.L_overlay_start_2:
0xb5: {  	(tag) =	ssettag $0x2  }
0xb6: {  	s0 =	rddreg [dreg:$0x0];
	s2 =	stileid.u32  }
0xb7: {  	s1 =	rddreg [dreg:$0x1];
	p0 =	sne.s32 s2, $0x0  }
0xb8: {  	s3 =	rddreg [dreg:$0x2];
	[bflag:$0x3] =	sbarrier.arrive $0xFFFF;
	s2 =	simm.s32 @!p0 $0x1C02  }
0xb9: {  	[timem:s3], [sflag:s2] =	dma.local @!p0 [hbm:s0], s1  }
0xba: {  	s0 =	simm.s32 @!p0 $0x2  }
0xbb: {  	_ =	swait.ge @!p0 [sflag:s0], s1  }
0xbc: {  	s1 =	ssub.s32 @!p0 $0x0, s1;
	[sflag:s0] =	ssyncset.done @!p0 $0x0  }
0xbd: {  	[sflag:s0] =	ssyncadd.s32 @!p0 s1  }
0xbe: {  	[bflag:$0x3] =	sbarrier.arrive $0xFFFF  }
0xbf: {  	_ =	shalt  }

</sc_bundles>
